<compile_context>
chip_gen: v7x
topology: tpu7x:2x2x1
jax: 0.10.2.dev20260603
libtpu: 0.0.44.dev20260713+nightly
codegen_flags: <defaults>
</compile_context>

<pallas_src>
import jax
import jax.numpy as jnp
from jax import lax
from jax.experimental import pallas as pl
from jax.experimental.pallas import tpu as pltpu
from jax.experimental.pallas import tpu_sc as plsc

_T = 16
_BLK = 256
_NC, _NS, _L = 2, 16, 16
_NW = _NC * _NS
_ACC = 8


def _sc_minmax_body(x_ref, mins_ref, maxs_ref, xv_ref, mn_ref, mx_ref):
    c = lax.axis_index("c")
    s = lax.axis_index("s")
    wid = s * _NC + c
    rows, f = xv_ref.shape
    base = wid * rows
    pltpu.sync_copy(x_ref.at[pl.ds(base, rows)], xv_ref)

    per_row = f // _L
    init = tuple(xv_ref[0, pl.ds(j * _L, _L)] for j in range(2 * _ACC))

    def body(i, carry):
        out = []
        r = i // (per_row // _ACC)
        k = (i % (per_row // _ACC)) * _ACC
        for j in range(_ACC):
            v = xv_ref[r, pl.ds((k + j) * _L, _L)]
            out.append(jnp.minimum(carry[j], v))
            out.append(jnp.maximum(carry[_ACC + j], v))
        return tuple(out[::2]) + tuple(out[1::2])

    carry = lax.fori_loop(1, (rows * per_row) // _ACC, body, init)
    mn = carry[0]
    mx = carry[_ACC]
    for j in range(1, _ACC):
        mn = jnp.minimum(mn, carry[j])
        mx = jnp.maximum(mx, carry[_ACC + j])
    mn_ref[...] = mn
    mx_ref[...] = mx
    pltpu.sync_copy(mn_ref, mins_ref.at[wid])
    pltpu.sync_copy(mx_ref, maxs_ref.at[wid])


def _encode_body(mins_ref, maxs_ref, x_ref, out_ref):
    mn = jnp.min(mins_ref[...])
    mx = jnp.max(maxs_ref[...])
    x = x_ref[...]
    xn = jnp.clip((x - mn) / (mx - mn + 1e-8), 0.0, 1.0)
    lat = ((1.0 - xn) * (_T - 1)).astype(jnp.int32)
    t = jax.lax.broadcasted_iota(jnp.int32, (x.shape[0], _T, x.shape[1]), 1)
    out_ref[...] = (lat[:, None, :] == t).astype(jnp.float32)


def kernel(x):
    B, F = x.shape
    rows_per_w = B // _NW

    sc_minmax = pl.kernel(
        _sc_minmax_body,
        out_type=(
            jax.ShapeDtypeStruct((_NW, _L), jnp.float32),
            jax.ShapeDtypeStruct((_NW, _L), jnp.float32),
        ),
        mesh=plsc.VectorSubcoreMesh(
            core_axis_name="c", subcore_axis_name="s",
            num_cores=_NC, num_subcores=_NS,
        ),
        scratch_types=[
            pltpu.VMEM((rows_per_w, F), jnp.float32),
            pltpu.VMEM((_L,), jnp.float32),
            pltpu.VMEM((_L,), jnp.float32),
        ],
    )
    mins, maxs = sc_minmax(x)

    spikes = pl.pallas_call(
        _encode_body,
        grid=(B // _BLK,),
        in_specs=(
            pl.BlockSpec((_NW, _L), lambda i: (0, 0)),
            pl.BlockSpec((_NW, _L), lambda i: (0, 0)),
            pl.BlockSpec((_BLK, F), lambda i: (i, 0)),
        ),
        out_specs=pl.BlockSpec((_BLK, _T, F), lambda i: (i, 0, 0)),
        out_shape=jax.ShapeDtypeStruct((B, _T, F), jnp.float32),
    )(mins, maxs, x)
    return spikes

# --- scband reference (transcript-rebuilt; emitter-appended) ---
"""Pipeline reference for scband-latency-encoder-86397562126869 (READ-ONLY COPY).

The authoritative reference and input builder live on the scoring server;
editing this copy changes nothing except your own understanding.
"""

import jax, jax.numpy as jnp
import numpy as np

TIMESTEPS = 16

def setup_inputs(seed: int = 0) -> dict:
    key = jax.random.key(seed)
    x = jax.random.uniform(key, (4096, 512), dtype=jnp.float32)
    return {"x": x}

def reference(x):
    T = TIMESTEPS
    x_norm = (x - x.min()) / (x.max() - x.min() + 1e-08)
    x_norm = jnp.clip(x_norm, 0.0, 1.0)
    latency = jax.lax.stop_gradient((1.0 - x_norm) * (T - 1)).astype(jnp.int32)
    B = x.shape[0]
    F = x.shape[1]
    spikes = jnp.zeros((B, T, F), dtype=jnp.float32)
    b_idx = jnp.arange(B)[:, None]
    f_idx = jnp.arange(F)[None, :]
    # scatter-overwrite along time dim: one spike per (batch, feature) neuron
    spikes = spikes.at[b_idx, latency, f_idx].set(1.0)
    return spikes

if __name__ == "__main__":
    import jax
    _d = setup_inputs()
    print(jax.jit(kernel)(*tuple(_d.values())))

</pallas_src>

<mosaic_0001>
#map = affine_map<(d0, d1) -> (0, 0)>
module attributes {stable_mosaic.version = 14 : i64} {
  func.func @_sc_minmax_body(%arg0: i32, %arg1: i32, %arg2: memref<4096x512xf32, #tpu.memory_space<hbm>>, %arg3: memref<32x16xf32, #tpu.memory_space<hbm>>, %arg4: memref<32x16xf32, #tpu.memory_space<hbm>>, %arg5: memref<128x512xf32, #tpu.memory_space<vmem>>, %arg6: memref<16xf32, #tpu.memory_space<vmem>>, %arg7: memref<16xf32, #tpu.memory_space<vmem>>) attributes {dimension_semantics = [#tpu.dimension_semantics<core_parallel>, #tpu.dimension_semantics<subcore_parallel>], iteration_bounds = array<i64: 2, 16>, scalar_prefetch = 0 : i64, scratch_operands = 3 : i64, tpu.core_type = #tpu.core_type<sc_vector_subcore>, window_params = [{transform_indices = #map}, {transform_indices = #map}, {transform_indices = #map}]} {
    %mul3A = arith.constant 2 : i32
    %mul3A_0 = arith.muli %arg1, %mul3A : i32
    %add3A = arith.addi %mul3A_0, %arg0 : i32
    %mul3A_1 = arith.constant 128 : i32
    %mul3A_2 = arith.muli %add3A, %mul3A_1 : i32
    "tpu.region"() ({
      %run_scoped3A = tpu.sem_alloc : memref<!tpu.dma_semaphore, #tpu.memory_space<semaphore_mem>>
      %dma_start3A = arith.constant 0 : i32
      %dma_start3A_106 = tpu.memref_slice %arg2[%mul3A_2, %dma_start3A] : memref<4096x512xf32, #tpu.memory_space<hbm>> -> memref<128x512xf32, #tpu.memory_space<hbm>>
      %dma_start3A_107 = arith.constant 0 : i32
      %dma_start3A_108 = tpu.memref_slice %arg2[%mul3A_2, %dma_start3A_107] : memref<4096x512xf32, #tpu.memory_space<hbm>> -> memref<128x512xf32, #tpu.memory_space<hbm>>
      tpu.enqueue_dma source(%dma_start3A_108 : memref<128x512xf32, #tpu.memory_space<hbm>>) target(%arg5 : memref<128x512xf32, #tpu.memory_space<vmem>>) target_semaphore(%run_scoped3A : memref<!tpu.dma_semaphore, #tpu.memory_space<semaphore_mem>>)
      %dma_wait3A = arith.constant 0 : i32
      %dma_wait3A_109 = tpu.memref_slice %arg2[%mul3A_2, %dma_wait3A] : memref<4096x512xf32, #tpu.memory_space<hbm>> -> memref<128x512xf32, #tpu.memory_space<hbm>>
      %dma_wait3A_110 = arith.constant 0 : i32
      %dma_wait3A_111 = tpu.memref_slice %arg2[%mul3A_2, %dma_wait3A_110] : memref<4096x512xf32, #tpu.memory_space<hbm>> -> memref<128x512xf32, #tpu.memory_space<hbm>>
      tpu.wait_dma2 semaphore(%run_scoped3A : memref<!tpu.dma_semaphore, #tpu.memory_space<semaphore_mem>>) src(%dma_wait3A_111 : memref<128x512xf32, #tpu.memory_space<hbm>>) dst(%arg5 : memref<128x512xf32, #tpu.memory_space<vmem>>)
      tpu.yield
    }) : () -> ()
    %get3A = arith.constant 0 : i32
    %get3A_3 = arith.index_cast %get3A : i32 to index
    %get3A_4 = arith.constant 0 : index
    %get3A_5 = tpu.vector_load %arg5[%get3A_3, %get3A_4] {strides = array<i32>} : memref<128x512xf32, #tpu.memory_space<vmem>>, vector<1x16xf32>,
    %get3A_6 = vector.shape_cast %get3A_5 : vector<1x16xf32> to vector<16xf32>
    %get3A_7 = arith.constant 0 : i32
    %get3A_8 = arith.index_cast %get3A_7 : i32 to index
    %get3A_9 = arith.constant 16 : index
    %get3A_10 = tpu.vector_load %arg5[%get3A_8, %get3A_9] {strides = array<i32>} : memref<128x512xf32, #tpu.memory_space<vmem>>, vector<1x16xf32>,
    %get3A_11 = vector.shape_cast %get3A_10 : vector<1x16xf32> to vector<16xf32>
    %get3A_12 = arith.constant 0 : i32
    %get3A_13 = arith.index_cast %get3A_12 : i32 to index
    %get3A_14 = arith.constant 32 : index
    %get3A_15 = tpu.vector_load %arg5[%get3A_13, %get3A_14] {strides = array<i32>} : memref<128x512xf32, #tpu.memory_space<vmem>>, vector<1x16xf32>,
    %get3A_16 = vector.shape_cast %get3A_15 : vector<1x16xf32> to vector<16xf32>
    %get3A_17 = arith.constant 0 : i32
    %get3A_18 = arith.index_cast %get3A_17 : i32 to index
    %get3A_19 = arith.constant 48 : index
    %get3A_20 = tpu.vector_load %arg5[%get3A_18, %get3A_19] {strides = array<i32>} : memref<128x512xf32, #tpu.memory_space<vmem>>, vector<1x16xf32>,
    %get3A_21 = vector.shape_cast %get3A_20 : vector<1x16xf32> to vector<16xf32>
    %get3A_22 = arith.constant 0 : i32
    %get3A_23 = arith.index_cast %get3A_22 : i32 to index
    %get3A_24 = arith.constant 64 : index
    %get3A_25 = tpu.vector_load %arg5[%get3A_23, %get3A_24] {strides = array<i32>} : memref<128x512xf32, #tpu.memory_space<vmem>>, vector<1x16xf32>,
    %get3A_26 = vector.shape_cast %get3A_25 : vector<1x16xf32> to vector<16xf32>
    %get3A_27 = arith.constant 0 : i32
    %get3A_28 = arith.index_cast %get3A_27 : i32 to index
    %get3A_29 = arith.constant 80 : index
    %get3A_30 = tpu.vector_load %arg5[%get3A_28, %get3A_29] {strides = array<i32>} : memref<128x512xf32, #tpu.memory_space<vmem>>, vector<1x16xf32>,
    %get3A_31 = vector.shape_cast %get3A_30 : vector<1x16xf32> to vector<16xf32>
    %get3A_32 = arith.constant 0 : i32
    %get3A_33 = arith.index_cast %get3A_32 : i32 to index
    %get3A_34 = arith.constant 96 : index
    %get3A_35 = tpu.vector_load %arg5[%get3A_33, %get3A_34] {strides = array<i32>} : memref<128x512xf32, #tpu.memory_space<vmem>>, vector<1x16xf32>,
    %get3A_36 = vector.shape_cast %get3A_35 : vector<1x16xf32> to vector<16xf32>
    %get3A_37 = arith.constant 0 : i32
    %get3A_38 = arith.index_cast %get3A_37 : i32 to index
    %get3A_39 = arith.constant 112 : index
    %get3A_40 = tpu.vector_load %arg5[%get3A_38, %get3A_39] {strides = array<i32>} : memref<128x512xf32, #tpu.memory_space<vmem>>, vector<1x16xf32>,
    %get3A_41 = vector.shape_cast %get3A_40 : vector<1x16xf32> to vector<16xf32>
    %get3A_42 = arith.constant 0 : i32
    %get3A_43 = arith.index_cast %get3A_42 : i32 to index
    %get3A_44 = arith.constant 128 : index
    %get3A_45 = tpu.vector_load %arg5[%get3A_43, %get3A_44] {strides = array<i32>} : memref<128x512xf32, #tpu.memory_space<vmem>>, vector<1x16xf32>,
    %get3A_46 = vector.shape_cast %get3A_45 : vector<1x16xf32> to vector<16xf32>
    %get3A_47 = arith.constant 0 : i32
    %get3A_48 = arith.index_cast %get3A_47 : i32 to index
    %get3A_49 = arith.constant 144 : index
    %get3A_50 = tpu.vector_load %arg5[%get3A_48, %get3A_49] {strides = array<i32>} : memref<128x512xf32, #tpu.memory_space<vmem>>, vector<1x16xf32>,
    %get3A_51 = vector.shape_cast %get3A_50 : vector<1x16xf32> to vector<16xf32>
    %get3A_52 = arith.constant 0 : i32
    %get3A_53 = arith.index_cast %get3A_52 : i32 to index
    %get3A_54 = arith.constant 160 : index
    %get3A_55 = tpu.vector_load %arg5[%get3A_53, %get3A_54] {strides = array<i32>} : memref<128x512xf32, #tpu.memory_space<vmem>>, vector<1x16xf32>,
    %get3A_56 = vector.shape_cast %get3A_55 : vector<1x16xf32> to vector<16xf32>
    %get3A_57 = arith.constant 0 : i32
    %get3A_58 = arith.index_cast %get3A_57 : i32 to index
    %get3A_59 = arith.constant 176 : index
    %get3A_60 = tpu.vector_load %arg5[%get3A_58, %get3A_59] {strides = array<i32>} : memref<128x512xf32, #tpu.memory_space<vmem>>, vector<1x16xf32>,
    %get3A_61 = vector.shape_cast %get3A_60 : vector<1x16xf32> to vector<16xf32>
    %get3A_62 = arith.constant 0 : i32
    %get3A_63 = arith.index_cast %get3A_62 : i32 to index
    %get3A_64 = arith.constant 192 : index
    %get3A_65 = tpu.vector_load %arg5[%get3A_63, %get3A_64] {strides = array<i32>} : memref<128x512xf32, #tpu.memory_space<vmem>>, vector<1x16xf32>,
    %get3A_66 = vector.shape_cast %get3A_65 : vector<1x16xf32> to vector<16xf32>
    %get3A_67 = arith.constant 0 : i32
    %get3A_68 = arith.index_cast %get3A_67 : i32 to index
    %get3A_69 = arith.constant 208 : index
    %get3A_70 = tpu.vector_load %arg5[%get3A_68, %get3A_69] {strides = array<i32>} : memref<128x512xf32, #tpu.memory_space<vmem>>, vector<1x16xf32>,
    %get3A_71 = vector.shape_cast %get3A_70 : vector<1x16xf32> to vector<16xf32>
    %get3A_72 = arith.constant 0 : i32
    %get3A_73 = arith.index_cast %get3A_72 : i32 to index
    %get3A_74 = arith.constant 224 : index
    %get3A_75 = tpu.vector_load %arg5[%get3A_73, %get3A_74] {strides = array<i32>} : memref<128x512xf32, #tpu.memory_space<vmem>>, vector<1x16xf32>,
    %get3A_76 = vector.shape_cast %get3A_75 : vector<1x16xf32> to vector<16xf32>
    %get3A_77 = arith.constant 0 : i32
    %get3A_78 = arith.index_cast %get3A_77 : i32 to index
    %get3A_79 = arith.constant 240 : index
    %get3A_80 = tpu.vector_load %arg5[%get3A_78, %get3A_79] {strides = array<i32>} : memref<128x512xf32, #tpu.memory_space<vmem>>, vector<1x16xf32>,
    %get3A_81 = vector.shape_cast %get3A_80 : vector<1x16xf32> to vector<16xf32>
    %scan3A = arith.constant 1 : i32
    %scan3A_82 = arith.constant 511 : i32
    %scan3A_83 = arith.addi %scan3A, %scan3A_82 : i32
    %scan3A_84 = arith.constant 1 : i32
    %scan3A_85:16 = scf.for %scan3A_106 = %scan3A to %scan3A_83 step %scan3A_84 iter_args(%scan3A_107 = %get3A_6, %scan3A_108 = %get3A_11, %scan3A_109 = %get3A_16, %scan3A_110 = %get3A_21, %scan3A_111 = %get3A_26, %scan3A_112 = %get3A_31, %scan3A_113 = %get3A_36, %scan3A_114 = %get3A_41, %scan3A_115 = %get3A_46, %scan3A_116 = %get3A_51, %scan3A_117 = %get3A_56, %scan3A_118 = %get3A_61, %scan3A_119 = %get3A_66, %scan3A_120 = %get3A_71, %scan3A_121 = %get3A_76, %scan3A_122 = %get3A_81) -> (vector<16xf32>, vector<16xf32>, vector<16xf32>, vector<16xf32>, vector<16xf32>, vector<16xf32>, vector<16xf32>, vector<16xf32>, vector<16xf32>, vector<16xf32>, vector<16xf32>, vector<16xf32>, vector<16xf32>, vector<16xf32>, vector<16xf32>, vector<16xf32>)  : i32 {
      %jit3A = arith.constant 4 : i32
      %div3A = arith.divsi %scan3A_106, %jit3A : i32
      %sign3A = arith.constant 0 : i32
      %sign3A_123 = arith.cmpi sgt, %scan3A_106, %sign3A : i32
      %sign3A_124 = arith.extui %sign3A_123 : i1 to i32
      %sign3A_125 = arith.constant 0 : i32
      %sign3A_126 = arith.cmpi slt, %scan3A_106, %sign3A_125 : i32
      %sign3A_127 = arith.extui %sign3A_126 : i1 to i32
      %sign3A_128 = arith.subi %sign3A_124, %sign3A_127 : i32
      %sign3A_129 = arith.constant 0 : i32
      %sign3A_130 = arith.cmpi sgt, %jit3A, %sign3A_129 : i32
      %sign3A_131 = arith.extui %sign3A_130 : i1 to i32
      %sign3A_132 = arith.constant 0 : i32
      %sign3A_133 = arith.cmpi slt, %jit3A, %sign3A_132 : i32
      %sign3A_134 = arith.extui %sign3A_133 : i1 to i32
      %sign3A_135 = arith.subi %sign3A_131, %sign3A_134 : i32
      %ne3A = arith.cmpi ne, %sign3A_128, %sign3A_135 : i32
      %rem3A = arith.remsi %scan3A_106, %jit3A : i32
      %ne3A_136 = arith.constant 0 : i32
      %ne3A_137 = arith.cmpi ne, %rem3A, %ne3A_136 : i32
      %and3A = arith.andi %ne3A, %ne3A_137 : i1
      %sub3A = arith.constant 1 : i32
      %sub3A_138 = arith.subi %div3A, %sub3A : i32
      %select_n3A = arith.select %and3A, %sub3A_138, %div3A : i32
      %jit3A_139 = arith.constant 4 : i32
      %eq3A = arith.constant 0 : i32
      %eq3A_140 = arith.cmpi eq, %jit3A_139, %eq3A : i32
      %jit3A_141 = arith.constant 1 : i32
      %select_n3A_142 = arith.select %eq3A_140, %jit3A_141, %jit3A_139 : i32
      %rem3A_143 = arith.remsi %scan3A_106, %select_n3A_142 : i32
      %ne3A_144 = arith.constant 0 : i32
      %ne3A_145 = arith.cmpi ne, %rem3A_143, %ne3A_144 : i32
      %lt3A = arith.constant 0 : i32
      %lt3A_146 = arith.cmpi slt, %rem3A_143, %lt3A : i32
      %lt3A_147 = arith.constant 0 : i32
      %lt3A_148 = arith.cmpi slt, %select_n3A_142, %lt3A_147 : i32
      %ne3A_149 = arith.xori %lt3A_146, %lt3A_148 : i1
      %and3A_150 = arith.andi %ne3A_149, %ne3A_145 : i1
      %add3A_151 = arith.addi %rem3A_143, %select_n3A_142 : i32
      %select_n3A_152 = arith.select %and3A_150, %add3A_151, %rem3A_143 : i32
      %mul3A_153 = arith.constant 8 : i32
      %mul3A_154 = arith.muli %select_n3A_152, %mul3A_153 : i32
      %add3A_155 = arith.constant 0 : i32
      %add3A_156 = arith.addi %mul3A_154, %add3A_155 : i32
      %mul3A_157 = arith.constant 16 : i32
      %mul3A_158 = arith.muli %add3A_156, %mul3A_157 : i32
      %get3A_159 = arith.index_cast %select_n3A : i32 to index
      %get3A_160 = arith.index_cast %mul3A_158 : i32 to index
      %get3A_161 = tpu.vector_load %arg5[%get3A_159, %get3A_160] {strides = array<i32>} : memref<128x512xf32, #tpu.memory_space<vmem>>, vector<1x16xf32>,
      %get3A_162 = vector.shape_cast %get3A_161 : vector<1x16xf32> to vector<16xf32>
      %min3A_163 = arith.minimumf %scan3A_107, %get3A_162 : vector<16xf32>
      %max3A_164 = arith.maximumf %scan3A_115, %get3A_162 : vector<16xf32>
      %add3A_165 = arith.constant 1 : i32
      %add3A_166 = arith.addi %mul3A_154, %add3A_165 : i32
      %mul3A_167 = arith.constant 16 : i32
      %mul3A_168 = arith.muli %add3A_166, %mul3A_167 : i32
      %get3A_169 = arith.index_cast %select_n3A : i32 to index
      %get3A_170 = arith.index_cast %mul3A_168 : i32 to index
      %get3A_171 = tpu.vector_load %arg5[%get3A_169, %get3A_170] {strides = array<i32>} : memref<128x512xf32, #tpu.memory_space<vmem>>, vector<1x16xf32>,
      %get3A_172 = vector.shape_cast %get3A_171 : vector<1x16xf32> to vector<16xf32>
      %min3A_173 = arith.minimumf %scan3A_108, %get3A_172 : vector<16xf32>
      %max3A_174 = arith.maximumf %scan3A_116, %get3A_172 : vector<16xf32>
      %add3A_175 = arith.constant 2 : i32
      %add3A_176 = arith.addi %mul3A_154, %add3A_175 : i32
      %mul3A_177 = arith.constant 16 : i32
      %mul3A_178 = arith.muli %add3A_176, %mul3A_177 : i32
      %get3A_179 = arith.index_cast %select_n3A : i32 to index
      %get3A_180 = arith.index_cast %mul3A_178 : i32 to index
      %get3A_181 = tpu.vector_load %arg5[%get3A_179, %get3A_180] {strides = array<i32>} : memref<128x512xf32, #tpu.memory_space<vmem>>, vector<1x16xf32>,
      %get3A_182 = vector.shape_cast %get3A_181 : vector<1x16xf32> to vector<16xf32>
      %min3A_183 = arith.minimumf %scan3A_109, %get3A_182 : vector<16xf32>
      %max3A_184 = arith.maximumf %scan3A_117, %get3A_182 : vector<16xf32>
      %add3A_185 = arith.constant 3 : i32
      %add3A_186 = arith.addi %mul3A_154, %add3A_185 : i32
      %mul3A_187 = arith.constant 16 : i32
      %mul3A_188 = arith.muli %add3A_186, %mul3A_187 : i32
      %get3A_189 = arith.index_cast %select_n3A : i32 to index
      %get3A_190 = arith.index_cast %mul3A_188 : i32 to index
      %get3A_191 = tpu.vector_load %arg5[%get3A_189, %get3A_190] {strides = array<i32>} : memref<128x512xf32, #tpu.memory_space<vmem>>, vector<1x16xf32>,
      %get3A_192 = vector.shape_cast %get3A_191 : vector<1x16xf32> to vector<16xf32>
      %min3A_193 = arith.minimumf %scan3A_110, %get3A_192 : vector<16xf32>
      %max3A_194 = arith.maximumf %scan3A_118, %get3A_192 : vector<16xf32>
      %add3A_195 = arith.constant 4 : i32
      %add3A_196 = arith.addi %mul3A_154, %add3A_195 : i32
      %mul3A_197 = arith.constant 16 : i32
      %mul3A_198 = arith.muli %add3A_196, %mul3A_197 : i32
      %get3A_199 = arith.index_cast %select_n3A : i32 to index
      %get3A_200 = arith.index_cast %mul3A_198 : i32 to index
      %get3A_201 = tpu.vector_load %arg5[%get3A_199, %get3A_200] {strides = array<i32>} : memref<128x512xf32, #tpu.memory_space<vmem>>, vector<1x16xf32>,
      %get3A_202 = vector.shape_cast %get3A_201 : vector<1x16xf32> to vector<16xf32>
      %min3A_203 = arith.minimumf %scan3A_111, %get3A_202 : vector<16xf32>
      %max3A_204 = arith.maximumf %scan3A_119, %get3A_202 : vector<16xf32>
      %add3A_205 = arith.constant 5 : i32
      %add3A_206 = arith.addi %mul3A_154, %add3A_205 : i32
      %mul3A_207 = arith.constant 16 : i32
      %mul3A_208 = arith.muli %add3A_206, %mul3A_207 : i32
      %get3A_209 = arith.index_cast %select_n3A : i32 to index
      %get3A_210 = arith.index_cast %mul3A_208 : i32 to index
      %get3A_211 = tpu.vector_load %arg5[%get3A_209, %get3A_210] {strides = array<i32>} : memref<128x512xf32, #tpu.memory_space<vmem>>, vector<1x16xf32>,
      %get3A_212 = vector.shape_cast %get3A_211 : vector<1x16xf32> to vector<16xf32>
      %min3A_213 = arith.minimumf %scan3A_112, %get3A_212 : vector<16xf32>
      %max3A_214 = arith.maximumf %scan3A_120, %get3A_212 : vector<16xf32>
      %add3A_215 = arith.constant 6 : i32
      %add3A_216 = arith.addi %mul3A_154, %add3A_215 : i32
      %mul3A_217 = arith.constant 16 : i32
      %mul3A_218 = arith.muli %add3A_216, %mul3A_217 : i32
      %get3A_219 = arith.index_cast %select_n3A : i32 to index
      %get3A_220 = arith.index_cast %mul3A_218 : i32 to index
      %get3A_221 = tpu.vector_load %arg5[%get3A_219, %get3A_220] {strides = array<i32>} : memref<128x512xf32, #tpu.memory_space<vmem>>, vector<1x16xf32>,
      %get3A_222 = vector.shape_cast %get3A_221 : vector<1x16xf32> to vector<16xf32>
      %min3A_223 = arith.minimumf %scan3A_113, %get3A_222 : vector<16xf32>
      %max3A_224 = arith.maximumf %scan3A_121, %get3A_222 : vector<16xf32>
      %add3A_225 = arith.constant 7 : i32
      %add3A_226 = arith.addi %mul3A_154, %add3A_225 : i32
      %mul3A_227 = arith.constant 16 : i32
      %mul3A_228 = arith.muli %add3A_226, %mul3A_227 : i32
      %get3A_229 = arith.index_cast %select_n3A : i32 to index
      %get3A_230 = arith.index_cast %mul3A_228 : i32 to index
      %get3A_231 = tpu.vector_load %arg5[%get3A_229, %get3A_230] {strides = array<i32>} : memref<128x512xf32, #tpu.memory_space<vmem>>, vector<1x16xf32>,
      %get3A_232 = vector.shape_cast %get3A_231 : vector<1x16xf32> to vector<16xf32>
      %min3A_233 = arith.minimumf %scan3A_114, %get3A_232 : vector<16xf32>
      %max3A_234 = arith.maximumf %scan3A_122, %get3A_232 : vector<16xf32>
      scf.yield %min3A_163, %min3A_173, %min3A_183, %min3A_193, %min3A_203, %min3A_213, %min3A_223, %min3A_233, %max3A_164, %max3A_174, %max3A_184, %max3A_194, %max3A_204, %max3A_214, %max3A_224, %max3A_234 : vector<16xf32>, vector<16xf32>, vector<16xf32>, vector<16xf32>, vector<16xf32>, vector<16xf32>, vector<16xf32>, vector<16xf32>, vector<16xf32>, vector<16xf32>, vector<16xf32>, vector<16xf32>, vector<16xf32>, vector<16xf32>, vector<16xf32>, vector<16xf32>
    }
    %scan3A_86 = arith.constant 511 : i32
    %min3A = arith.minimumf %scan3A_85#0, %scan3A_85#1 : vector<16xf32>
    %max3A = arith.maximumf %scan3A_85#8, %scan3A_85#9 : vector<16xf32>
    %min3A_87 = arith.minimumf %min3A, %scan3A_85#2 : vector<16xf32>
    %max3A_88 = arith.maximumf %max3A, %scan3A_85#10 : vector<16xf32>
    %min3A_89 = arith.minimumf %min3A_87, %scan3A_85#3 : vector<16xf32>
    %max3A_90 = arith.maximumf %max3A_88, %scan3A_85#11 : vector<16xf32>
    %min3A_91 = arith.minimumf %min3A_89, %scan3A_85#4 : vector<16xf32>
    %max3A_92 = arith.maximumf %max3A_90, %scan3A_85#12 : vector<16xf32>
    %min3A_93 = arith.minimumf %min3A_91, %scan3A_85#5 : vector<16xf32>
    %max3A_94 = arith.maximumf %max3A_92, %scan3A_85#13 : vector<16xf32>
    %min3A_95 = arith.minimumf %min3A_93, %scan3A_85#6 : vector<16xf32>
    %max3A_96 = arith.maximumf %max3A_94, %scan3A_85#14 : vector<16xf32>
    %min3A_97 = arith.minimumf %min3A_95, %scan3A_85#7 : vector<16xf32>
    %max3A_98 = arith.maximumf %max3A_96, %scan3A_85#15 : vector<16xf32>
    %swap3A = arith.constant 0 : index
    %swap3A_99 = tpu.vector_load %arg6[%swap3A] {strides = array<i32>} : memref<16xf32, #tpu.memory_space<vmem>>, vector<16xf32>,
    %swap3A_100 = vector.shape_cast %swap3A_99 : vector<16xf32> to vector<16xf32>
    %swap3A_101 = vector.shape_cast %min3A_97 : vector<16xf32> to vector<16xf32>
    tpu.vector_store %arg6[%swap3A], %swap3A_101 {strides = array<i32>} : memref<16xf32, #tpu.memory_space<vmem>>, vector<16xf32>,
    %swap3A_102 = arith.constant 0 : index
    %swap3A_103 = tpu.vector_load %arg7[%swap3A_102] {strides = array<i32>} : memref<16xf32, #tpu.memory_space<vmem>>, vector<16xf32>,
    %swap3A_104 = vector.shape_cast %swap3A_103 : vector<16xf32> to vector<16xf32>
    %swap3A_105 = vector.shape_cast %max3A_98 : vector<16xf32> to vector<16xf32>
    tpu.vector_store %arg7[%swap3A_102], %swap3A_105 {strides = array<i32>} : memref<16xf32, #tpu.memory_space<vmem>>, vector<16xf32>,
    "tpu.region"() ({
      %run_scoped3A = tpu.sem_alloc : memref<!tpu.dma_semaphore, #tpu.memory_space<semaphore_mem>>
      %dma_start3A = arith.constant 0 : i32
      %dma_start3A_106 = tpu.memref_slice %arg3[%add3A, %dma_start3A] : memref<32x16xf32, #tpu.memory_space<hbm>> -> memref<1x16xf32, #tpu.memory_space<hbm>>
      %dma_start3A_107 = tpu.memref_squeeze %dma_start3A_106 : memref<1x16xf32, #tpu.memory_space<hbm>> -> memref<16xf32, #tpu.memory_space<hbm>>
      %dma_start3A_108 = arith.constant 0 : i32
      %dma_start3A_109 = tpu.memref_slice %arg3[%add3A, %dma_start3A_108] : memref<32x16xf32, #tpu.memory_space<hbm>> -> memref<1x16xf32, #tpu.memory_space<hbm>>
      %dma_start3A_110 = tpu.memref_squeeze %dma_start3A_109 : memref<1x16xf32, #tpu.memory_space<hbm>> -> memref<16xf32, #tpu.memory_space<hbm>>
      tpu.enqueue_dma source(%arg6 : memref<16xf32, #tpu.memory_space<vmem>>) target(%dma_start3A_110 : memref<16xf32, #tpu.memory_space<hbm>>) target_semaphore(%run_scoped3A : memref<!tpu.dma_semaphore, #tpu.memory_space<semaphore_mem>>)
      %dma_wait3A = arith.constant 0 : i32
      %dma_wait3A_111 = tpu.memref_slice %arg3[%add3A, %dma_wait3A] : memref<32x16xf32, #tpu.memory_space<hbm>> -> memref<1x16xf32, #tpu.memory_space<hbm>>
      %dma_wait3A_112 = tpu.memref_squeeze %dma_wait3A_111 : memref<1x16xf32, #tpu.memory_space<hbm>> -> memref<16xf32, #tpu.memory_space<hbm>>
      %dma_wait3A_113 = arith.constant 0 : i32
      %dma_wait3A_114 = tpu.memref_slice %arg3[%add3A, %dma_wait3A_113] : memref<32x16xf32, #tpu.memory_space<hbm>> -> memref<1x16xf32, #tpu.memory_space<hbm>>
      %dma_wait3A_115 = tpu.memref_squeeze %dma_wait3A_114 : memref<1x16xf32, #tpu.memory_space<hbm>> -> memref<16xf32, #tpu.memory_space<hbm>>
      tpu.wait_dma2 semaphore(%run_scoped3A : memref<!tpu.dma_semaphore, #tpu.memory_space<semaphore_mem>>) src(%arg6 : memref<16xf32, #tpu.memory_space<vmem>>) dst(%dma_wait3A_115 : memref<16xf32, #tpu.memory_space<hbm>>)
      tpu.yield
    }) : () -> ()
    "tpu.region"() ({
      %run_scoped3A = tpu.sem_alloc : memref<!tpu.dma_semaphore, #tpu.memory_space<semaphore_mem>>
      %dma_start3A = arith.constant 0 : i32
      %dma_start3A_106 = tpu.memref_slice %arg4[%add3A, %dma_start3A] : memref<32x16xf32, #tpu.memory_space<hbm>> -> memref<1x16xf32, #tpu.memory_space<hbm>>
      %dma_start3A_107 = tpu.memref_squeeze %dma_start3A_106 : memref<1x16xf32, #tpu.memory_space<hbm>> -> memref<16xf32, #tpu.memory_space<hbm>>
      %dma_start3A_108 = arith.constant 0 : i32
      %dma_start3A_109 = tpu.memref_slice %arg4[%add3A, %dma_start3A_108] : memref<32x16xf32, #tpu.memory_space<hbm>> -> memref<1x16xf32, #tpu.memory_space<hbm>>
      %dma_start3A_110 = tpu.memref_squeeze %dma_start3A_109 : memref<1x16xf32, #tpu.memory_space<hbm>> -> memref<16xf32, #tpu.memory_space<hbm>>
      tpu.enqueue_dma source(%arg7 : memref<16xf32, #tpu.memory_space<vmem>>) target(%dma_start3A_110 : memref<16xf32, #tpu.memory_space<hbm>>) target_semaphore(%run_scoped3A : memref<!tpu.dma_semaphore, #tpu.memory_space<semaphore_mem>>)
      %dma_wait3A = arith.constant 0 : i32
      %dma_wait3A_111 = tpu.memref_slice %arg4[%add3A, %dma_wait3A] : memref<32x16xf32, #tpu.memory_space<hbm>> -> memref<1x16xf32, #tpu.memory_space<hbm>>
      %dma_wait3A_112 = tpu.memref_squeeze %dma_wait3A_111 : memref<1x16xf32, #tpu.memory_space<hbm>> -> memref<16xf32, #tpu.memory_space<hbm>>
      %dma_wait3A_113 = arith.constant 0 : i32
      %dma_wait3A_114 = tpu.memref_slice %arg4[%add3A, %dma_wait3A_113] : memref<32x16xf32, #tpu.memory_space<hbm>> -> memref<1x16xf32, #tpu.memory_space<hbm>>
      %dma_wait3A_115 = tpu.memref_squeeze %dma_wait3A_114 : memref<1x16xf32, #tpu.memory_space<hbm>> -> memref<16xf32, #tpu.memory_space<hbm>>
      tpu.wait_dma2 semaphore(%run_scoped3A : memref<!tpu.dma_semaphore, #tpu.memory_space<semaphore_mem>>) src(%arg7 : memref<16xf32, #tpu.memory_space<vmem>>) dst(%dma_wait3A_115 : memref<16xf32, #tpu.memory_space<hbm>>)
      tpu.yield
    }) : () -> ()
    return
  }
}

module attributes {stable_mosaic.version = 14 : i64} {
  func.func @_encode_body(%arg0: i32, %arg1: memref<32x16xf32, #tpu.memory_space<vmem>>, %arg2: memref<32x16xf32, #tpu.memory_space<vmem>>, %arg3: memref<256x512xf32, #tpu.memory_space<vmem>>, %arg4: memref<256x16x512xf32, #tpu.memory_space<vmem>>) attributes {dimension_semantics = [#tpu.dimension_semantics<arbitrary>], iteration_bounds = array<i64: 16>, scalar_prefetch = 0 : i64, scratch_operands = 0 : i64, tpu.core_type = #tpu.core_type<tc>, window_params = [{pipeline_mode = #tpu.pipeline_mode<synchronous>, transform_indices = @transform_0, window_bounds = array<i64: 32, 16>}, {pipeline_mode = #tpu.pipeline_mode<synchronous>, transform_indices = @transform_1, window_bounds = array<i64: 32, 16>}, {transform_indices = @transform_2, window_bounds = array<i64: 256, 512>}, {transform_indices = @transform_3, window_bounds = array<i64: 256, 16, 512>}]} {
    %get3A = arith.constant 0 : index
    %get3A_0 = arith.constant 0 : index
    %get3A_1 = vector.load %arg1[%get3A, %get3A_0] : memref<32x16xf32, #tpu.memory_space<vmem>>, vector<32x16xf32>
    %reduce_min3A = vector.shape_cast %get3A_1 : vector<32x16xf32> to vector<1x32x16xf32>
    %reduce_min3A_2 = arith.constant dense<0x7F800000> : vector<1xf32>
    %reduce_min3A_3 = vector.multi_reduction <minimumf>, %reduce_min3A, %reduce_min3A_2 [1, 2] : vector<1x32x16xf32> to vector<1xf32>
    %reduce_min3A_4 = vector.shape_cast %reduce_min3A_3 : vector<1xf32> to vector<1x1x1xf32>
    %reduce_min3A_5 = vector.extract %reduce_min3A_4[0, 0, 0] : f32 from vector<1x1x1xf32>
    %get3A_6 = arith.constant 0 : index
    %get3A_7 = arith.constant 0 : index
    %get3A_8 = vector.load %arg2[%get3A_6, %get3A_7] : memref<32x16xf32, #tpu.memory_space<vmem>>, vector<32x16xf32>
    %reduce_max3A = vector.shape_cast %get3A_8 : vector<32x16xf32> to vector<1x32x16xf32>
    %reduce_max3A_9 = arith.constant dense<0xFF800000> : vector<1xf32>
    %reduce_max3A_10 = vector.multi_reduction <maximumf>, %reduce_max3A, %reduce_max3A_9 [1, 2] : vector<1x32x16xf32> to vector<1xf32>
    %reduce_max3A_11 = vector.shape_cast %reduce_max3A_10 : vector<1xf32> to vector<1x1x1xf32>
    %reduce_max3A_12 = vector.extract %reduce_max3A_11[0, 0, 0] : f32 from vector<1x1x1xf32>
    %get3A_13 = arith.constant 0 : index
    %get3A_14 = arith.constant 0 : index
    %get3A_15 = vector.load %arg3[%get3A_13, %get3A_14] : memref<256x512xf32, #tpu.memory_space<vmem>>, vector<256x512xf32>
    %sub3A = vector.broadcast %reduce_min3A_5 : f32 to vector<256x512xf32>
    %sub3A_16 = arith.subf %get3A_15, %sub3A : vector<256x512xf32>
    %sub3A_17 = arith.subf %reduce_max3A_12, %reduce_min3A_5 : f32
    %add3A = arith.constant 9.99999993E-9 : f32
    %add3A_18 = arith.addf %sub3A_17, %add3A : f32
    %div3A = vector.broadcast %add3A_18 : f32 to vector<256x512xf32>
    %div3A_19 = arith.divf %sub3A_16, %div3A : vector<256x512xf32>
    %jit3A = arith.constant 0.000000e+00 : f32
    %jit3A_20 = arith.constant 1.000000e+00 : f32
    %max3A = vector.broadcast %jit3A : f32 to vector<256x512xf32>
    %max3A_21 = arith.maximumf %max3A, %div3A_19 : vector<256x512xf32>
    %min3A = vector.broadcast %jit3A_20 : f32 to vector<256x512xf32>
    %min3A_22 = arith.minimumf %min3A, %max3A_21 : vector<256x512xf32>
    %sub3A_23 = arith.constant 1.000000e+00 : f32
    %sub3A_24 = vector.broadcast %sub3A_23 : f32 to vector<256x512xf32>
    %sub3A_25 = arith.subf %sub3A_24, %min3A_22 : vector<256x512xf32>
    %mul3A = arith.constant 1.500000e+01 : f32
    %mul3A_26 = vector.broadcast %mul3A : f32 to vector<256x512xf32>
    %mul3A_27 = arith.mulf %sub3A_25, %mul3A_26 : vector<256x512xf32>
    %convert_element_type3A = arith.fptosi %mul3A_27 : vector<256x512xf32> to vector<256x512xi32>
    %iota3A = tpu.iota {dimensions = array<i32: 1>} : vector<256x16x512xi32>
    %broadcast_in_dim3A = vector.shape_cast %convert_element_type3A : vector<256x512xi32> to vector<256x1x512xi32>
    %eq3A = vector.broadcast %broadcast_in_dim3A : vector<256x1x512xi32> to vector<256x16x512xi32>
    %eq3A_28 = arith.cmpi eq, %eq3A, %iota3A : vector<256x16x512xi32>
    %convert_element_type3A_29 = arith.extui %eq3A_28 : vector<256x16x512xi1> to vector<256x16x512xi32>
    %convert_element_type3A_30 = arith.sitofp %convert_element_type3A_29 : vector<256x16x512xi32> to vector<256x16x512xf32>
    %swap3A = arith.constant 0 : index
    %swap3A_31 = arith.constant 0 : index
    %swap3A_32 = arith.constant 0 : index
    %swap3A_33 = vector.load %arg4[%swap3A, %swap3A_31, %swap3A_32] : memref<256x16x512xf32, #tpu.memory_space<vmem>>, vector<256x16x512xf32>
    tpu.vector_store %arg4[%swap3A, %swap3A_31, %swap3A_32], %convert_element_type3A_30 {strides = array<i32>} : memref<256x16x512xf32, #tpu.memory_space<vmem>>, vector<256x16x512xf32>,
    return
  }
  func.func @transform_0(%arg0: i32) -> (i32, i32) {
    %c0_i32 = arith.constant 0 : i32
    %c0_i32_0 = arith.constant 0 : i32
    %c0_i32_1 = arith.constant 0 : i32
    return %c0_i32, %c0_i32_0 : i32, i32
  }
  func.func @transform_1(%arg0: i32) -> (i32, i32) {
    %c0_i32 = arith.constant 0 : i32
    %c0_i32_0 = arith.constant 0 : i32
    %c0_i32_1 = arith.constant 0 : i32
    return %c0_i32, %c0_i32_0 : i32, i32
  }
  func.func @transform_2(%arg0: i32) -> (i32, i32) {
    %c0_i32 = arith.constant 0 : i32
    %c0_i32_0 = arith.constant 0 : i32
    return %arg0, %c0_i32 : i32, i32
  }
  func.func @transform_3(%arg0: i32) -> (i32, i32, i32) {
    %c0_i32 = arith.constant 0 : i32
    %c0_i32_0 = arith.constant 0 : i32
    %c0_i32_1 = arith.constant 0 : i32
    return %arg0, %c0_i32, %c0_i32_0 : i32, i32, i32
  }
}

</mosaic_0001>

<sc_bundles>
// kernel: kernel.4.cloned.1.call-start
scs
__scs_entry_jumppad:
0x0: {  	(pc) =	sbr.rel $0x88, $3  }
0x1: {  	(tag) =	ssettag $0x0;
	lr =	simm.s32 $0x1  }
0x2: {  	[smem:$0x3FA0] =	sst lr;
	_ =	strace $0xD0000000  }
0x3: {  	_ = 	snop  }
0x4: {  	_ = 	snop  }
0x5: {  	_ = 	snop  }
0x6: {  	_ = 	snop  }
0x7: {  	_ = 	snop  }
__scs_overlays_trampoline_lowered:
0x8: {  	[smem:$0x3FAF] =	sst s0  }
0x9: {  	[smem:$0x3FB0] =	sst s1  }
0xa: {  	[smem:$0x3FB1] =	sst s2  }
0xb: {  	[smem:$0x3FB2] =	sst s3  }
0xc: {  	[smem:$0x3FB3] =	sst s4  }
0xd: {  	[smem:$0x3FB4] =	sst s5  }
0xe: {  	[smem:$0x3FB5] =	sst s6  }
0xf: {  	[smem:$0x3FB6] =	sst s7  }
0x10: {  	[smem:$0x3FB7] =	sst s8  }
0x11: {  	[smem:$0x3FB8] =	sst s9;
	s0 =	simm.s32 @!p0 $0x0  }
0x12: {  	s1 =	sld [smem:$0x3F9E];
	s0 =	simm.s32 @p0 $0x1  }
0x13: {  	[smem:$0x3FB9] =	sst s0;
	s0 =	simm.s32 @!p1 $0x0  }
0x14: {  	s2 =	sld [smem:$0x3F9D];
	s0 =	simm.s32 @p1 $0x1  }
0x15: {  	[smem:$0x3FBA] =	sst s0;
	s0 =	simm.s32 @!p2 $0x0  }
0x16: {  	s3 =	sld [smem:$0x3FDB];
	s0 =	simm.s32 @p2 $0x1  }
0x17: {  	s4 =	simm.s32 $0x1BF5;
	[smem:$0x3FBC] =	sst s0  }
0x18: {  	s0 =	sld [smem:$0x3F9F];
	_ =	swait.ge [sflag:s4], $0x0  }
0x19: {  	s7 =	sld [smem:$0x3FA0]  }
0x1a: {  	s8 =	sadd.s32 $0xFFFFE003, lr  }
0x1b: {  	s9 =	sadd.s32 $0xFFFFFEF7, lr;
	s5 =	simm.s32 $0xFFFFFFFF;
	p2 =	slt.u32 s8, $0xFFFFF086  }
0x1c: {  	p1 =	slt.u32 s9, $0xF7A;
	s5 =	simm.s32 @!p2 $0x0  }
0x1d: {  	s5 =	simm.s32 @p1 $0x1;
	p0 =	seq.s32 s7, s2  }
0x1e: {  	s7 =	smul.u32 @!p0 $0xF7A, s2;
	p2 =	seq.s32 @!p0 s5, $0x0  }
0x1f: {  	s9 =	smul.u32 $0xF7A, s1;
	s8 =	simm.s32 @!p0 $0x1BF5;
	p2 =	por !p2, p0  }
0x20: {  	[sflag:s8] =	ssyncset.s32 @!p0 $0xFFFFF086;
	s6 =	sadd.s32 @!p0 s3, s7;
	s7 =	simm.s32 @!p0 $0x108  }
0x21: {  	s3 =	sadd.s32 s3, s9;
	s6 =	sadd.s32 @!p0 $0x88, s6;
	s7 =	simm.s32 @p2 $0x1082  }
0x22: {  	[simem:s7], [sflag:s8] =	dma.local @!p0 [hbm:s6], $0xF7A  }
0x23: {  	s9 =	sor.u32 $0xD0000000, s2;
	s6 =	simm.s32 $0x108;
	_ =	swait.ge @!p0 [sflag:s8], $0x0  }
0x24: {  	s3 =	sadd.s32 $0x88, s3;
	s6 =	simm.s32 @!p1 $0x1082;
	[sflag:s4] =	ssyncset.s32 $0xFFFFF086  }
0x25: {  	[simem:s6], [sflag:s4] =	dma.local [hbm:s3], $0xF7A  }
0x26: {  	[smem:$0x3FA0] =	sst s1;
	(tag) =	ssettag s2;
	_ =	strace s9  }
0x27: {  	s1 =	sld [smem:$0x3FB0]  }
0x28: {  	s2 =	sld [smem:$0x3FB1]  }
0x29: {  	s4 =	sld [smem:$0x3FB3]  }
0x2a: {  	p0 =	seq.s32 s5, $0x0;
	s5 =	sld [smem:$0x3FB4]  }
0x2b: {  	s6 =	sld [smem:$0x3FB5]  }
0x2c: {  	s7 =	sld [smem:$0x3FB6]  }
0x2d: {  	s3 =	simm.s32 $0x108;
	s8 =	sld [smem:$0x3FB7]  }
0x2e: {  	s3 =	simm.s32 @!p0 $0x1082;
	s9 =	sld [smem:$0x3FB8]  }
0x2f: {  	lr =	sadd.s32 s0, s3;
	s0 =	sld [smem:$0x3FAF]  }
0x30: {  	s3 =	sld [smem:$0x3FB2]  }
0x31: {  	[smem:$0x3FBB] =	sst s10  }
0x32: {  	s10 =	sld [smem:$0x3FB9];
	_ =	sdelay $0x3  }
0x33: {  	p0 =	seq.s32 s10, $0x1;
	s10 =	sld [smem:$0x3FBB];
	_ =	sdelay $0x3  }
0x34: {  	[smem:$0x3FBB] =	sst s10  }
0x35: {  	s10 =	sld [smem:$0x3FBA];
	_ =	sdelay $0x3  }
0x36: {  	p1 =	seq.s32 s10, $0x1;
	s10 =	sld [smem:$0x3FBB];
	_ =	sdelay $0x3  }
0x37: {  	[smem:$0x3FBB] =	sst s10  }
0x38: {  	s10 =	sld [smem:$0x3FBC]  }
0x39: {  	_ = 	snop;
	(pc) =	sbr.ind lr, $3  }
0x3a: {  	_ = 	snop  }
0x3b: {  	_ = 	snop  }
0x3c: {  	p2 =	seq.s32 s10, $0x1;
	s10 =	sld [smem:$0x3FBB]  }
0x3d: {  	_ =	shalt  }
0x3e: {  	_ =	shalt  }
0x3f: {  	_ =	shalt  }
0x40: {  	_ =	shalt  }
0x41: {  	_ =	shalt  }
0x42: {  	_ =	shalt  }
0x43: {  	_ =	shalt  }
0x44: {  	_ =	shalt  }
0x45: {  	_ =	shalt  }
0x46: {  	_ =	shalt  }
0x47: {  	_ =	shalt  }
0x48: {  	_ =	shalt  }
0x49: {  	_ =	shalt  }
0x4a: {  	_ =	shalt  }
0x4b: {  	_ =	shalt  }
0x4c: {  	_ =	shalt  }
0x4d: {  	_ =	shalt  }
0x4e: {  	_ =	shalt  }
0x4f: {  	_ =	shalt  }
0x50: {  	_ =	shalt  }
0x51: {  	_ =	shalt  }
0x52: {  	_ =	shalt  }
0x53: {  	_ =	shalt  }
0x54: {  	_ =	shalt  }
0x55: {  	_ =	shalt  }
0x56: {  	_ =	shalt  }
0x57: {  	_ =	shalt  }
0x58: {  	_ =	shalt  }
0x59: {  	_ =	shalt  }
0x5a: {  	_ =	shalt  }
0x5b: {  	_ =	shalt  }
0x5c: {  	_ =	shalt  }
0x5d: {  	_ =	shalt  }
0x5e: {  	_ =	shalt  }
0x5f: {  	_ =	shalt  }
0x60: {  	_ =	shalt  }
0x61: {  	_ =	shalt  }
0x62: {  	_ =	shalt  }
0x63: {  	_ =	shalt  }
0x64: {  	_ =	shalt  }
0x65: {  	_ =	shalt  }
0x66: {  	_ =	shalt  }
0x67: {  	_ =	shalt  }
0x68: {  	_ =	shalt  }
0x69: {  	_ =	shalt  }
0x6a: {  	_ =	shalt  }
0x6b: {  	_ =	shalt  }
0x6c: {  	_ =	shalt  }
0x6d: {  	_ =	shalt  }
0x6e: {  	_ =	shalt  }
0x6f: {  	_ =	shalt  }
0x70: {  	_ =	shalt  }
0x71: {  	_ =	shalt  }
0x72: {  	_ =	shalt  }
0x73: {  	_ =	shalt  }
0x74: {  	_ =	shalt  }
0x75: {  	_ =	shalt  }
0x76: {  	_ =	shalt  }
0x77: {  	_ =	shalt  }
0x78: {  	_ =	shalt  }
0x79: {  	_ =	shalt  }
0x7a: {  	_ =	shalt  }
0x7b: {  	_ =	shalt  }
0x7c: {  	_ =	shalt  }
0x7d: {  	_ =	shalt  }
0x7e: {  	_ =	shalt  }
0x7f: {  	_ =	shalt  }
0x80: {  	_ =	shalt  }
0x81: {  	_ =	shalt  }
0x82: {  	_ =	shalt  }
0x83: {  	_ =	shalt  }
0x84: {  	_ =	shalt  }
0x85: {  	_ =	shalt  }
0x86: {  	_ =	shalt  }
0x87: {  	_ =	shalt  }
.Lfunc_end0:
.L_simem_size_0:
called_computation_lowered:
.L_overlay_start_0:
0x88: {  	s2 =	sld [smem:$0x3FD9]  }
0x89: {  	s3 =	sld [smem:$0x3FFE];
	_ =	sdelay $0x1  }
0x8a: {  	s1 =	srdreg.scid  }
0x8b: {  	s0 =	sand.u32 $0x1, s1  }
0x8c: {  	s17 =	sshll.u32 s0, $0xA;
	s2 =	sadd.s32 s3, s2  }
0x8d: {  	s2 =	sadd.s32 s2, s17  }
0x8e: {  	[smem:$0x3FC7] =	sst s2  }
0x8f: {  	_ = 	snop  }
0x90: {  	s2 =	sld [smem:$0x3FC9]  }
0x91: {  	s18 =	sld [smem:$0x3FD0];
	(tm) =	ssettm $0x1  }
0x92: {  	s4 =	sld [smem:$0x3FFB];
	_ =	sdelay $0x3  }
0x93: {  	_ =	strace s4  }
0x94: {  	s4 =	sld [smem:$0x3FFC];
	_ =	sdelay $0x3  }
0x95: {  	_ =	strace s4  }
0x96: {  	s4 =	sld [smem:$0x3FFD];
	_ =	sdelay $0x3  }
0x97: {  	_ =	strace s4  }
0x98: {  	_ =	strace $0x8FFFFFFF  }
0x99: {  	s19 =	sld [smem:$0x3FDB];
	_ =	sdelay $0x1  }
0x9a: {  	s5 =	simm.s32 $_scs_section_size  }
0x9b: {  	s6 =	simm.s32 $_size__tile_overlayer_lowered;
	s7 =	simm.s32 $_tile_overlayer_lowered  }
0x9c: {  	s22 =	simm.s32 $0x1BFF;
	s21 =	sshll.u32 s7, $0x1;
	s4 =	sadd.s32 s5, s19  }
0x9d: {  	s8 =	simm.s32 $0x0;
	s20 =	sshll.u32 s6, $0x1;
	s6 =	sadd.s32 s21, s4  }
0x9e: {  	[timem:s8], [sflag:s22] =	dma.local [hbm:s6], s20  }
0x9f: {  	_ =	swait.ge [sflag:s22], s20  }
0xa0: {  	s5 =	ssub.s32 $0x0, s20;
	[sflag:s22] =	ssyncset.done $0x0  }
0xa1: {  	[sflag:s22] =	ssyncadd.s32 s5;
	_ =	sdelay $0x1  }
0xa2: {  	s23 =	simm.s32 $0x1B8B  }
0xa3: {  	_ =	swait.ge [sflag:s23], $0x1  }
0xa4: {  	[sflag:s23] =	ssyncset.done $0x0  }
0xa5: {  	s25 =	simm.s32 $0x1B8E;
	s24 =	sld [smem:$0x3FFE];
	[sflag:s23] =	ssyncadd.s32 $0xFFFFFFFF  }
0xa6: {  	s26 =	simm.s32 $execute0_lowered;
	[smem:$0x3FD2] =	sst s25  }
0xa7: {  	s6 =	sshll.u32 s26, $0x1;
	_ =	strace $0x80000046;
	[dreg:$0x1] =	wrdreg $0xFFFFFFFF  }
0xa8: {  	s28 =	simm.s32 $_size_execute0_lowered;
	s4 =	sadd.s32 s4, s6;
	[dreg:$0x0] =	wrdreg $0x0  }
0xa9: {  	s6 =	sshll.u32 s28, $0x1;
	[dreg:$0x2] =	wrdreg s4  }
0xaa: {  	[dreg:$0x3] =	wrdreg s6  }
0xab: {  	[dreg:$0x4] =	wrdreg $0xC0  }
0xac: {  	_ =	task [dreg:s8], $0x5FFFF  }
0xad: {  	[dreg:$0x1] =	wrdreg $0xFFFFFFFF  }
0xae: {  	[dreg:$0x0] =	wrdreg $0x60  }
0xaf: {  	[dreg:$0x2] =	wrdreg s2  }
0xb0: {  	[dreg:$0x3] =	wrdreg s18  }
0xb1: {  	[dreg:$0x4] =	wrdreg s24  }
0xb2: {  	[dreg:$0x5] =	wrdreg $0x9  }
0xb3: {  	_ =	task.clear_ibuf [dreg:s8], $0x6FFFF;
	_ =	strace $0x90000046  }
0xb4: {  	s29 =	simm.s32 $0x9;
	_ =	strace $0x80000048  }
0xb5: {  	_ =	swait.ge [sflag:s29], $0x1  }
0xb6: {  	[sflag:s29] =	ssyncadd.s32 $0xFFFFFFFF  }
0xb7: {  	_ =	strace $0x90000048  }
0xb8: {  	_ =	sfence  }
0xb9: {  	s30 =	sld [smem:$0x0];
	_ =	sdelay $0x2  }
0xba: {  	s31 =	sshll.u32 s1, $0xD;
	s1 =	sshrl.u32 s1, $0x2  }
0xbb: {  	s3 =	sand.u32 $0x4000, s31;
	s1 =	sadd.s32 s1, s30  }
0xbc: {  	s0 =	sor.u32 s3, s0;
	s1 =	sshll.u32 s1, $0x11  }
0xbd: {  	s0 =	sor.u32 s1, s0  }
0xbe: {  	s0 =	sadd.s32 $0x8F2B, s0  }
0xbf: {  	[sflag:s0] =	ssyncadd.remote.s32 $0x1  }
0xc0: {  	_ =	sfence.sel $0xFFFF  }
0xc1: {  	[dreg:$0x0] =	wrdreg $0xFFFFFFFF;
	(pc) =	sbr.abs _section_cstart, $3  }
0xc2: {  	[dreg:$0x1] =	wrdreg $0xFFFFFFFF  }
0xc3: {  	_ =	task.clear_ibuf [dreg:s8], $0x2FFFF;
	_ =	strace $0x9FFFFFFF  }
0xc4: {  	(tm) =	ssettm $0x7FFFFFFF  }
0xc5: {  	_ =	shalt  }
tec
execute0_lowered:
.L_overlay_start_1:
0x0: {  	(tag) =	ssettag $0x1  }
0x1: {  	s3 =	rddreg [dreg:$0x0]  }
0x2: {  	s4 =	rddreg [dreg:$0x1]  }
0x3: {  	s5 =	rddreg [dreg:$0x2]  }
0x4: {  	s0 =	rddreg [dreg:$0x3];
	s6 =	srdreg.scid  }
0x5: {  	s1 =	stileid.u32;
	s2 =	simm.s32 $0x0;
	s10 =	simm.s32 $0x0  }
0x6: {  	s6 =	sand.u32 $0x1, s6;
	s7 =	sshll.u32 s1, $0x1;
	[smem:$0x7FF] =	sst s2  }
0x7: {  	s7 =	sor.u32 s6, s7;
	_ =	strace $0x80000047;
	s6 =	ssub.s32 $0x2, s6  }
0x8: {  	s8 =	sshll.u32 s7, $0x4;
	s9 =	sshrl.u32 s6, $0x1;
	s7 =	sshll.u32 s7, $0xD  }
0x9: {  	s5 =	sadd.s32 s8, s5;
	s6 =	ssub.s32 s6, s9;
	s3 =	sadd.s32 s3, s7  }
0xa: {  	s4 =	sadd.s32 s4, s8;
	s7 =	simm.s32 $0x10000;
	s8 =	simm.s32 $0x1  }
0xb: {  	s9 =	simm.s32 $0x10080;
	s5 =	sadd.s32 $0xE00, s5;
	s6 =	smax.u32 s6, $0x1  }
.LBB2_1:
0xc: {  	[tilespmem:s2], [sflag:$0x1] =	stream.linear.gather [hbm4b:s3+s2], $0x10000, $0x38;
	[tilespmem:$0x10100] =	vst v63  }
0xd: {  	_ =	swait.ge [sflag:s8], $0x10000  }
0xe: {  	[sflag:s8] =	ssyncset.done $0x0  }
0xf: {  	[sflag:s8] =	ssyncadd.s32 $0xFFFF0000  }
0x10: {  	v6 =	vld [tilespmem:$0x0]  }
0x11: {  	v5 =	vld [tilespmem:$0x10]  }
0x12: {  	v4 =	vld [tilespmem:$0x20]  }
0x13: {  	v3 =	vld [tilespmem:$0x30]  }
0x14: {  	v2 =	vld [tilespmem:$0x40]  }
0x15: {  	v1 =	vld [tilespmem:$0x50]  }
0x16: {  	v0 =	vld [tilespmem:$0x60]  }
0x17: {  	v14 =	vld [tilespmem:$0x70]  }
0x18: {  	v13 =	vld [tilespmem:$0x400]  }
0x19: {  	v12 =	vld [tilespmem:$0x410]  }
0x1a: {  	v10 =	vld [tilespmem:$0x420]  }
0x1b: {  	s11 =	simm.s32 $0x1000;
	v7 =	vld [tilespmem:$0x430]  }
0x1c: {  	s12 =	simm.s32 $0x80;
	s11 =	sand.u32 $0x3000, s11;
	v8 =	vld [tilespmem:$0x440]  }
0x1d: {  	s13 =	simm.s32 $0x20;
	s12 =	sand.u32 $0xF000, s12;
	s11 =	sshrl.u32 s11, $0x2;
	v9 =	vld [tilespmem:$0x450]  }
0x1e: {  	s13 =	sand.u32 $0x380, s13;
	s11 =	sor.u32 s11, s12;
	v11 =	vld [tilespmem:$0x460]  }
0x1f: {  	v15 =	vld [tilespmem:$0x470];
	s11 =	sor.u32 s13, s11  }
0x20: {  	v19 =	vld [tilespmem:s11+$0x70]  }
0x21: {  	v17 =	vld [tilespmem:s11+$0x0]  }
0x22: {  	v18 =	vld [tilespmem:s11+$0x10]  }
0x23: {  	s31 =	simm.s32 $0x2000;
	s16 =	simm.s32 $0x100;
	s15 =	simm.s32 $0x40;
	v16 =	vld [tilespmem:s11+$0x20]  }
0x24: {  	s14 =	sand.u32 $0x3000, s31;
	s12 =	simm.s32 $0x2;
	s13 =	simm.s32 $0x3000;
	v20 =	vld [tilespmem:s11+$0x30]  }
.LBB2_2:
0x25: {  	p0 =	sne.s32 s13, $0x1FF000;
	s16 =	sand.u32 $0xF000, s16;
	s14 =	sshrl.u32 s14, $0x2;
	v21 =	vld [tilespmem:s11+$0x40];
	v14 =	vmin.f32 v14, v19;
	v15 =	vmax.f32 v15, v19  }
0x26: {  	s15 =	sand.u32 $0x380, s15;
	s14 =	sor.u32 s14, s16;
	v6 =	vmin.f32 v6, v17;
	v13 =	vmax.f32 v13, v17;
	v22 =	vld [tilespmem:s11+$0x50]  }
0x27: {  	v5 =	vmin.f32 v5, v18;
	v12 =	vmax.f32 v12, v18;
	v23 =	vld [tilespmem:s11+$0x60];
	s11 =	sor.u32 s15, s14  }
.Ltmp0:
0x28: {  	v19 =	vld [tilespmem:s11+$0x70];
	v4 =	vmin.f32 v4, v16;
	v10 =	vmax.f32 v10, v16;
	(pc) =	sbr.rel @p0 .LBB2_2-.Ltmp0, $4  }
0x29: {  	v17 =	vld [tilespmem:s11+$0x0];
	v3 =	vmin.f32 v3, v20;
	v7 =	vmax.f32 v7, v20  }
0x2a: {  	v18 =	vld [tilespmem:s11+$0x10];
	v2 =	vmin.f32 v2, v21;
	v8 =	vmax.f32 v8, v21  }
0x2b: {  	s12 =	sadd.s32 $0x1, s12;
	s14 =	sand.u32 $0x3000, s13;
	v16 =	vld [tilespmem:s11+$0x20];
	v1 =	vmin.f32 v1, v22;
	v9 =	vmax.f32 v9, v22  }
0x2c: {  	s16 =	sshll.u32 s12, $0x7;
	s15 =	sshll.u32 s12, $0x5;
	s13 =	sadd.s32 $0x1000, s13;
	v20 =	vld [tilespmem:s11+$0x30];
	v0 =	vmin.f32 v0, v23;
	v11 =	vmax.f32 v11, v23  }
0x2d: {  	s12 =	sand.u32 $0xF000, s16;
	s13 =	sshrl.u32 s14, $0x2;
	v21 =	vld [tilespmem:s11+$0x40]  }
0x2e: {  	s31 =	sand.u32 $0x380, s15;
	v22 =	vld [tilespmem:s11+$0x50];
	s12 =	sor.u32 s13, s12  }
0x2f: {  	v23 =	vld [tilespmem:s11+$0x60];
	s12 =	sor.u32 s31, s12  }
0x30: {  	v24 =	vld [tilespmem:s12+$0x70]  }
0x31: {  	v25 =	vld [tilespmem:s12+$0x0]  }
0x32: {  	v14 =	vmin.f32 v14, v19;
	v15 =	vmax.f32 v15, v19;
	v6 =	vmin.f32 v6, v17;
	v51 =	vld [tilespmem:s12+$0x10]  }
0x33: {  	v13 =	vmax.f32 v13, v17;
	v5 =	vmin.f32 v5, v18;
	v12 =	vmax.f32 v12, v18;
	v52 =	vld [tilespmem:s12+$0x20]  }
0x34: {  	v4 =	vmin.f32 v4, v16;
	v10 =	vmax.f32 v10, v16;
	v53 =	vld [tilespmem:s12+$0x30];
	v3 =	vmin.f32 v3, v20  }
0x35: {  	v54 =	vld [tilespmem:s12+$0x40];
	v7 =	vmax.f32 v7, v20;
	v2 =	vmin.f32 v2, v21;
	v8 =	vmax.f32 v8, v21  }
0x36: {  	v1 =	vmin.f32 v1, v22;
	v9 =	vmax.f32 v9, v22;
	v0 =	vmin.f32 v0, v23  }
0x37: {  	v55 =	vld [tilespmem:s12+$0x50];
	v11 =	vmax.f32 v11, v23;
	v6 =	vmin.f32 v6, v25;
	v13 =	vmax.f32 v13, v25  }
0x38: {  	v14 =	vmin.f32 v14, v24;
	v5 =	vmin.f32 v5, v51;
	v12 =	vmax.f32 v12, v51  }
0x39: {  	v56 =	vld [tilespmem:s12+$0x60];
	v4 =	vmin.f32 v4, v52;
	v10 =	vmax.f32 v10, v52;
	v3 =	vmin.f32 v3, v53  }
0x3a: {  	v7 =	vmax.f32 v7, v53;
	v2 =	vmin.f32 v2, v54;
	v5 =	vmin.f32 v6, v5  }
0x3b: {  	v57 =	vmax.f32 v8, v54;
	v58 =	vmax.f32 v13, v12;
	v4 =	vmin.f32 v5, v4  }
0x3c: {  	v1 =	vmin.f32 v1, v55;
	v59 =	vmax.f32 v58, v10;
	v3 =	vmin.f32 v4, v3  }
0x3d: {  	v60 =	vmax.f32 v9, v55;
	v5 =	vmax.f32 v59, v7;
	v2 =	vmin.f32 v3, v2  }
0x3e: {  	v0 =	vmin.f32 v0, v56;
	v61 =	vmax.f32 v5, v57;
	v1 =	vmin.f32 v2, v1  }
0x3f: {  	v62 =	vmax.f32 v11, v56;
	v3 =	vmax.f32 v61, v60;
	v0 =	vmin.f32 v1, v0  }
0x40: {  	v63 =	vmax.f32 v15, v24;
	v2 =	vmax.f32 v3, v62;
	v0 =	vmin.f32 v0, v14  }
0x41: {  	v1 =	vmax.f32 v2, v63;
	[tilespmem:$0x10000] =	vst v0  }
0x42: {  	[tilespmem:$0x10080] =	vst v1  }
0x43: {  	[hbm4b:s4+s2] =	stream.linear.scatter [tilespmem:s7], [sflag:$0x1], $0x80, $0x38;
	[tilespmem:$0x10100] =	vst v63  }
0x44: {  	s10 =	sadd.s32 $0x1, s10;
	_ =	swait.ge [sflag:s8], $0x80  }
0x45: {  	p0 =	sne.s32 s10, s6;
	[sflag:s8] =	ssyncset.done $0x0  }
.Ltmp1:
0x46: {  	[sflag:s8] =	ssyncadd.s32 $0xFFFFFF80;
	(pc) =	sbr.rel @p0 .LBB2_1-.Ltmp1, $4  }
0x47: {  	[hbm4b:s5+s2] =	stream.linear.scatter [tilespmem:s9], [sflag:$0x1], $0x80, $0x38;
	[tilespmem:$0x10100] =	vst v63  }
0x48: {  	_ =	swait.ge [sflag:s8], $0x80  }
0x49: {  	[sflag:s8] =	ssyncset.done $0x0  }
0x4a: {  	[sflag:s8] =	ssyncadd.s32 $0xFFFFFF80  }
0x4b: {  	_ =	sfence.sel $0x180000  }
0x4c: {  	[bflag:$0x0] =	sbarrier.arrive $0xFFFF  }
0x4d: {  	p0 =	sne.s32 s1, $0x0;
	_ =	strace $0x90000047  }
0x4e: {  	s0 =	sadd.s32 @!p0 $0x100000, s0;
	[bflag:$0x2] =	sbarrier.arrive $0xFFFF  }
0x4f: {  	[sflag:s0] =	ssyncadd.tile.s32 @!p0 $0x1;
	_ =	shalt  }
.Lfunc_end2:
_tile_overlayer_lowered:
.L_overlay_start_2:
0x50: {  	(tag) =	ssettag $0x2  }
0x51: {  	s0 =	rddreg [dreg:$0x0];
	s2 =	stileid.u32  }
0x52: {  	s1 =	rddreg [dreg:$0x1];
	p0 =	sne.s32 s2, $0x0  }
0x53: {  	s3 =	rddreg [dreg:$0x2];
	[bflag:$0x3] =	sbarrier.arrive $0xFFFF;
	s2 =	simm.s32 @!p0 $0x1C01  }
0x54: {  	[timem:s3], [sflag:s2] =	dma.local @!p0 [hbm:s0], s1  }
0x55: {  	s0 =	simm.s32 @!p0 $0x1  }
0x56: {  	_ =	swait.ge @!p0 [sflag:s0], s1  }
0x57: {  	s1 =	ssub.s32 @!p0 $0x0, s1;
	[sflag:s0] =	ssyncset.done @!p0 $0x0  }
0x58: {  	[sflag:s0] =	ssyncadd.s32 @!p0 s1  }
0x59: {  	[bflag:$0x3] =	sbarrier.arrive $0xFFFF  }
0x5a: {  	_ =	shalt  }

</sc_bundles>
